<compile_context>
chip_gen: v7x
topology: tpu7x:2x2x1
jax: 0.10.2.dev20260603
libtpu: 0.0.44.dev20260713+nightly
codegen_flags: <defaults>
</compile_context>

<pallas_src>
import jax
import jax.numpy as jnp
from jax import lax
from jax.experimental import pallas as pl
from jax.experimental.pallas import tpu as pltpu
from jax.experimental.pallas import tpu_sc as plsc

_NUM_FIELDS = 26
_VOCAB = 100000
_DIM = 32
_BATCH = 16384

_NC = 2
_NS = 16
_NW = _NC * _NS
_HALF = _BATCH // 2
_NVEC = _HALF // 16


def _sc_body(xt_hbm, tt_hbm, out_hbm, tab_v, idx_v, ob_v, xsh, tsem, isem, wsem, xsem):
    sid = lax.axis_index("s")
    w = sid * _NC + lax.axis_index("c")

    @pl.when(sid == 0)
    def _():
        pltpu.async_copy(xt_hbm.at[0], xsh.at[0], xsem).wait()

    def field(f, carry):
        plsc.subcore_barrier()
        p = lax.rem(f, 2)

        @pl.when(jnp.logical_and(sid == 0, f + 1 < _NUM_FIELDS))
        def _():
            pltpu.async_copy(xt_hbm.at[f + 1], xsh.at[1 - p], xsem)

        td = pltpu.async_copy(tt_hbm.at[f, w], tab_v, tsem)
        i0 = pltpu.async_copy(xsh.at[p, pl.ds(0, _HALF)], idx_v.at[0], isem)
        i1 = pltpu.async_copy(xsh.at[p, pl.ds(_HALF, _HALF)], idx_v.at[1], isem)
        td.wait()

        r = f * _DIM + w
        for h in range(2):
            (i0 if h == 0 else i1).wait()

            @pl.when((f + h) >= 1)
            def _():
                rp = r if h == 1 else r - _DIM
                hp = 1 - h
                pltpu.make_async_copy(
                    ob_v, out_hbm.at[rp, pl.ds(hp * _HALF, _HALF)], wsem
                ).wait()

            def g(k, c):
                ss = [pl.multiple_of(k * 128 + u * 16, 16) for u in range(8)]
                ivs = [idx_v[h, pl.ds(s, 16)] for s in ss]
                vals = [plsc.load_gather(tab_v, [iv]) for iv in ivs]
                for s, v in zip(ss, vals):
                    ob_v[pl.ds(s, 16)] = v
                return c

            lax.fori_loop(0, _NVEC // 8, g, 0)

            pltpu.async_copy(
                ob_v, out_hbm.at[r, pl.ds(h * _HALF, _HALF)], wsem
            )

        @pl.when(jnp.logical_and(sid == 0, f + 1 < _NUM_FIELDS))
        def _():
            pltpu.make_async_copy(xt_hbm.at[f + 1], xsh.at[1 - p], xsem).wait()
        return carry

    lax.fori_loop(0, _NUM_FIELDS, field, 0)

    r_last = (_NUM_FIELDS - 1) * _DIM + w
    pltpu.make_async_copy(
        ob_v, out_hbm.at[r_last, pl.ds(_HALF, _HALF)], wsem
    ).wait()


@jax.jit
def _binned_embed(x_binned, tables):
    xt = x_binned.T
    tt = jnp.transpose(tables, (0, 2, 1))
    mesh = plsc.VectorSubcoreMesh(core_axis_name="c", subcore_axis_name="s")
    f = pl.kernel(
        _sc_body,
        out_type=jax.ShapeDtypeStruct((_NUM_FIELDS * _DIM, _BATCH), jnp.float32),
        mesh=mesh,
        scratch_types=[
            pltpu.VMEM((_VOCAB,), jnp.float32),
            pltpu.VMEM((2, _HALF), jnp.int32),
            pltpu.VMEM((_HALF,), jnp.float32),
            pltpu.VMEM_SHARED((2, _BATCH), jnp.int32),
            pltpu.SemaphoreType.DMA,
            pltpu.SemaphoreType.DMA,
            pltpu.SemaphoreType.DMA,
            pltpu.SemaphoreType.DMA,
        ],
        compiler_params=pltpu.CompilerParams(
            use_tc_tiling_on_sc=True, needs_layout_passes=False
        ),
    )
    return f(xt, tt).T


def kernel(x_binned, tables):
    return _binned_embed(x_binned, tables)

# --- scband reference (transcript-rebuilt; emitter-appended) ---
"""Pipeline reference for scband-binned-embedding-49709951484814 (READ-ONLY COPY).

The authoritative reference and input builder live on the scoring server;
editing this copy changes nothing except your own understanding.
"""

import jax, jax.numpy as jnp
import numpy as np

NUM_FIELDS = 26
VOCAB = 100000
DIM = 32
BATCH = 16384


def setup_inputs(seed: int = 0) -> dict:
    key = jax.random.key(seed)
    k1, k2 = jax.random.split(key)
    x_binned = jax.random.randint(k1, (BATCH, NUM_FIELDS), 0, VOCAB, dtype=jnp.int32)
    # Learned parameters: one embedding table per field, all same vocab/dim so stack them.
    tables = jax.random.normal(k2, (NUM_FIELDS, VOCAB, DIM), dtype=jnp.float32)
    return {"x_binned": x_binned, "tables": tables}


def reference(x_binned, tables):
    # Faithful translation: per-field embedding lookup, then concat along last dim.
    outs = []
    for i in range(NUM_FIELDS):
        outs.append(jnp.take(tables[i], x_binned[:, i], axis=0))
    return jnp.concatenate(outs, axis=-1)

if __name__ == "__main__":
    import jax
    _d = setup_inputs()
    print(jax.jit(kernel)(*tuple(_d.values())))

</pallas_src>

<mosaic_0001>
#map = affine_map<(d0, d1) -> (0, 0)>
#map1 = affine_map<(d0, d1) -> (0, 0, 0)>
module attributes {stable_mosaic.version = 14 : i64} {
  func.func @_sc_body(%arg0: i32, %arg1: i32, %arg2: memref<26x16384xi32, #tpu.memory_space<hbm>>, %arg3: memref<26x32x100000xf32, #tpu.memory_space<hbm>>, %arg4: memref<832x16384xf32, #tpu.memory_space<hbm>>, %arg5: memref<100000xf32, #tpu.memory_space<vmem>>, %arg6: memref<2x8192xi32, #tpu.memory_space<vmem>>, %arg7: memref<8192xf32, #tpu.memory_space<vmem>>, %arg8: memref<2x16384xi32, #tpu.memory_space<vmem_shared>>, %arg9: memref<!tpu.dma_semaphore, #tpu.memory_space<semaphore_mem>>, %arg10: memref<!tpu.dma_semaphore, #tpu.memory_space<semaphore_mem>>, %arg11: memref<!tpu.dma_semaphore, #tpu.memory_space<semaphore_mem>>, %arg12: memref<!tpu.dma_semaphore, #tpu.memory_space<semaphore_mem>>) attributes {dimension_semantics = [#tpu.dimension_semantics<core_parallel>, #tpu.dimension_semantics<subcore_parallel>], iteration_bounds = array<i64: 2, 16>, scalar_prefetch = 0 : i64, scratch_operands = 8 : i64, tpu.core_type = #tpu.core_type<sc_vector_subcore>, window_params = [{transform_indices = #map}, {transform_indices = #map1}, {transform_indices = #map}]} {
    %mul3A = arith.constant 2 : i32
    %mul3A_0 = arith.muli %arg1, %mul3A : i32
    %add3A = arith.addi %mul3A_0, %arg0 : i32
    %eq3A = arith.constant 0 : i32
    %eq3A_1 = arith.cmpi eq, %arg1, %eq3A : i32
    %convert_element_type3A = arith.extui %eq3A_1 : i1 to i32
    %cond3A = arith.constant 0 : i32
    %cond3A_2 = arith.cmpi ne, %convert_element_type3A, %cond3A : i32
    scf.if %cond3A_2 {
      %dma_start3A = arith.constant 0 : i32
      %dma_start3A_15 = arith.constant 0 : i32
      %dma_start3A_16 = arith.constant 0 : i32
      %dma_start3A_17 = tpu.memref_slice %arg8[%dma_start3A_15, %dma_start3A_16] : memref<2x16384xi32, #tpu.memory_space<vmem_shared>> -> memref<1x16384xi32, #tpu.memory_space<vmem_shared>>
      %dma_start3A_18 = tpu.memref_squeeze %dma_start3A_17 : memref<1x16384xi32, #tpu.memory_space<vmem_shared>> -> memref<16384xi32, #tpu.memory_space<vmem_shared>>
      %dma_start3A_19 = arith.constant 0 : i32
      %dma_start3A_20 = tpu.memref_slice %arg2[%dma_start3A, %dma_start3A_19] : memref<26x16384xi32, #tpu.memory_space<hbm>> -> memref<1x16384xi32, #tpu.memory_space<hbm>>
      %dma_start3A_21 = tpu.memref_squeeze %dma_start3A_20 : memref<1x16384xi32, #tpu.memory_space<hbm>> -> memref<16384xi32, #tpu.memory_space<hbm>>
      tpu.enqueue_dma source(%dma_start3A_21 : memref<16384xi32, #tpu.memory_space<hbm>>) target(%dma_start3A_18 : memref<16384xi32, #tpu.memory_space<vmem_shared>>) target_semaphore(%arg12 : memref<!tpu.dma_semaphore, #tpu.memory_space<semaphore_mem>>)
      %dma_wait3A_22 = arith.constant 0 : i32
      %dma_wait3A_23 = arith.constant 0 : i32
      %dma_wait3A_24 = arith.constant 0 : i32
      %dma_wait3A_25 = tpu.memref_slice %arg8[%dma_wait3A_23, %dma_wait3A_24] : memref<2x16384xi32, #tpu.memory_space<vmem_shared>> -> memref<1x16384xi32, #tpu.memory_space<vmem_shared>>
      %dma_wait3A_26 = tpu.memref_squeeze %dma_wait3A_25 : memref<1x16384xi32, #tpu.memory_space<vmem_shared>> -> memref<16384xi32, #tpu.memory_space<vmem_shared>>
      %dma_wait3A_27 = arith.constant 0 : i32
      %dma_wait3A_28 = tpu.memref_slice %arg2[%dma_wait3A_22, %dma_wait3A_27] : memref<26x16384xi32, #tpu.memory_space<hbm>> -> memref<1x16384xi32, #tpu.memory_space<hbm>>
      %dma_wait3A_29 = tpu.memref_squeeze %dma_wait3A_28 : memref<1x16384xi32, #tpu.memory_space<hbm>> -> memref<16384xi32, #tpu.memory_space<hbm>>
      tpu.wait_dma2 semaphore(%arg12 : memref<!tpu.dma_semaphore, #tpu.memory_space<semaphore_mem>>) src(%dma_wait3A_29 : memref<16384xi32, #tpu.memory_space<hbm>>) dst(%dma_wait3A_26 : memref<16384xi32, #tpu.memory_space<vmem_shared>>)
    } else {
    }
    %scan3A = arith.constant 0 : i32
    %scan3A_3 = arith.constant 0 : i32
    %scan3A_4 = arith.constant 26 : i32
    %scan3A_5 = arith.addi %scan3A_3, %scan3A_4 : i32
    %scan3A_6 = arith.constant 1 : i32
    scf.for %scan3A_15 = %scan3A_3 to %scan3A_5 step %scan3A_6  : i32 {
      %barrier3A = arith.constant 0 : index
      tpu.barrier barrier_id(%barrier3A)
      %rem3A = arith.constant 2 : i32
      %rem3A_16 = arith.remsi %scan3A_15, %rem3A : i32
      %eq3A_17 = arith.constant 0 : i32
      %eq3A_18 = arith.cmpi eq, %arg1, %eq3A_17 : i32
      %add3A_19 = arith.constant 1 : i32
      %add3A_20 = arith.addi %scan3A_15, %add3A_19 : i32
      %lt3A = arith.constant 26 : i32
      %lt3A_21 = arith.cmpi slt, %add3A_20, %lt3A : i32
      %and3A = arith.andi %eq3A_18, %lt3A_21 : i1
      %convert_element_type3A_22 = arith.extui %and3A : i1 to i32
      %cond3A_23 = arith.constant 0 : i32
      %cond3A_24 = arith.cmpi ne, %convert_element_type3A_22, %cond3A_23 : i32
      scf.if %cond3A_24 {
        %add3A_138 = arith.constant 1 : i32
        %add3A_139 = arith.addi %scan3A_15, %add3A_138 : i32
        %sub3A = arith.constant 1 : i32
        %sub3A_140 = arith.subi %sub3A, %rem3A_16 : i32
        %dma_start3A_141 = arith.constant 0 : i32
        %dma_start3A_142 = tpu.memref_slice %arg8[%sub3A_140, %dma_start3A_141] : memref<2x16384xi32, #tpu.memory_space<vmem_shared>> -> memref<1x16384xi32, #tpu.memory_space<vmem_shared>>
        %dma_start3A_143 = tpu.memref_squeeze %dma_start3A_142 : memref<1x16384xi32, #tpu.memory_space<vmem_shared>> -> memref<16384xi32, #tpu.memory_space<vmem_shared>>
        %dma_start3A_144 = arith.constant 0 : i32
        %dma_start3A_145 = tpu.memref_slice %arg2[%add3A_139, %dma_start3A_144] : memref<26x16384xi32, #tpu.memory_space<hbm>> -> memref<1x16384xi32, #tpu.memory_space<hbm>>
        %dma_start3A_146 = tpu.memref_squeeze %dma_start3A_145 : memref<1x16384xi32, #tpu.memory_space<hbm>> -> memref<16384xi32, #tpu.memory_space<hbm>>
        tpu.enqueue_dma source(%dma_start3A_146 : memref<16384xi32, #tpu.memory_space<hbm>>) target(%dma_start3A_143 : memref<16384xi32, #tpu.memory_space<vmem_shared>>) target_semaphore(%arg12 : memref<!tpu.dma_semaphore, #tpu.memory_space<semaphore_mem>>)
      } else {
      }
      %dma_start3A = arith.constant 0 : i32
      %dma_start3A_25 = tpu.memref_slice %arg3[%scan3A_15, %add3A, %dma_start3A] : memref<26x32x100000xf32, #tpu.memory_space<hbm>> -> memref<1x1x100000xf32, #tpu.memory_space<hbm>>
      %dma_start3A_26 = tpu.memref_squeeze %dma_start3A_25 : memref<1x1x100000xf32, #tpu.memory_space<hbm>> -> memref<100000xf32, #tpu.memory_space<hbm>>
      %dma_start3A_27 = arith.constant 0 : i32
      %dma_start3A_28 = tpu.memref_slice %arg3[%scan3A_15, %add3A, %dma_start3A_27] : memref<26x32x100000xf32, #tpu.memory_space<hbm>> -> memref<1x1x100000xf32, #tpu.memory_space<hbm>>
      %dma_start3A_29 = tpu.memref_squeeze %dma_start3A_28 : memref<1x1x100000xf32, #tpu.memory_space<hbm>> -> memref<100000xf32, #tpu.memory_space<hbm>>
      tpu.enqueue_dma source(%dma_start3A_29 : memref<100000xf32, #tpu.memory_space<hbm>>) target(%arg5 : memref<100000xf32, #tpu.memory_space<vmem>>) target_semaphore(%arg9 : memref<!tpu.dma_semaphore, #tpu.memory_space<semaphore_mem>>)
      %dma_start3A_30 = arith.constant 0 : i32
      %dma_start3A_31 = arith.constant 0 : i32
      %dma_start3A_32 = tpu.memref_slice %arg6[%dma_start3A_30, %dma_start3A_31] : memref<2x8192xi32, #tpu.memory_space<vmem>> -> memref<1x8192xi32, #tpu.memory_space<vmem>>
      %dma_start3A_33 = tpu.memref_squeeze %dma_start3A_32 : memref<1x8192xi32, #tpu.memory_space<vmem>> -> memref<8192xi32, #tpu.memory_space<vmem>>
      %dma_start3A_34 = arith.constant 0 : i32
      %dma_start3A_35 = tpu.memref_slice %arg8[%rem3A_16, %dma_start3A_34] : memref<2x16384xi32, #tpu.memory_space<vmem_shared>> -> memref<1x8192xi32, #tpu.memory_space<vmem_shared>>
      %dma_start3A_36 = tpu.memref_squeeze %dma_start3A_35 : memref<1x8192xi32, #tpu.memory_space<vmem_shared>> -> memref<8192xi32, #tpu.memory_space<vmem_shared>>
      %dma_start3A_37 = arith.constant 0 : i32
      %dma_start3A_38 = tpu.memref_slice %arg6[%dma_start3A_30, %dma_start3A_37] : memref<2x8192xi32, #tpu.memory_space<vmem>> -> memref<1x8192xi32, #tpu.memory_space<vmem>>
      %dma_start3A_39 = tpu.memref_squeeze %dma_start3A_38 : memref<1x8192xi32, #tpu.memory_space<vmem>> -> memref<8192xi32, #tpu.memory_space<vmem>>
      %dma_start3A_40 = arith.constant 0 : i32
      %dma_start3A_41 = tpu.memref_slice %arg8[%rem3A_16, %dma_start3A_40] : memref<2x16384xi32, #tpu.memory_space<vmem_shared>> -> memref<1x8192xi32, #tpu.memory_space<vmem_shared>>
      %dma_start3A_42 = tpu.memref_squeeze %dma_start3A_41 : memref<1x8192xi32, #tpu.memory_space<vmem_shared>> -> memref<8192xi32, #tpu.memory_space<vmem_shared>>
      tpu.enqueue_dma source(%dma_start3A_42 : memref<8192xi32, #tpu.memory_space<vmem_shared>>) target(%dma_start3A_39 : memref<8192xi32, #tpu.memory_space<vmem>>) target_semaphore(%arg10 : memref<!tpu.dma_semaphore, #tpu.memory_space<semaphore_mem>>)
      %dma_start3A_43 = arith.constant 1 : i32
      %dma_start3A_44 = arith.constant 0 : i32
      %dma_start3A_45 = tpu.memref_slice %arg6[%dma_start3A_43, %dma_start3A_44] : memref<2x8192xi32, #tpu.memory_space<vmem>> -> memref<1x8192xi32, #tpu.memory_space<vmem>>
      %dma_start3A_46 = tpu.memref_squeeze %dma_start3A_45 : memref<1x8192xi32, #tpu.memory_space<vmem>> -> memref<8192xi32, #tpu.memory_space<vmem>>
      %dma_start3A_47 = arith.constant 8192 : i32
      %dma_start3A_48 = tpu.memref_slice %arg8[%rem3A_16, %dma_start3A_47] : memref<2x16384xi32, #tpu.memory_space<vmem_shared>> -> memref<1x8192xi32, #tpu.memory_space<vmem_shared>>
      %dma_start3A_49 = tpu.memref_squeeze %dma_start3A_48 : memref<1x8192xi32, #tpu.memory_space<vmem_shared>> -> memref<8192xi32, #tpu.memory_space<vmem_shared>>
      %dma_start3A_50 = arith.constant 0 : i32
      %dma_start3A_51 = tpu.memref_slice %arg6[%dma_start3A_43, %dma_start3A_50] : memref<2x8192xi32, #tpu.memory_space<vmem>> -> memref<1x8192xi32, #tpu.memory_space<vmem>>
      %dma_start3A_52 = tpu.memref_squeeze %dma_start3A_51 : memref<1x8192xi32, #tpu.memory_space<vmem>> -> memref<8192xi32, #tpu.memory_space<vmem>>
      %dma_start3A_53 = arith.constant 8192 : i32
      %dma_start3A_54 = tpu.memref_slice %arg8[%rem3A_16, %dma_start3A_53] : memref<2x16384xi32, #tpu.memory_space<vmem_shared>> -> memref<1x8192xi32, #tpu.memory_space<vmem_shared>>
      %dma_start3A_55 = tpu.memref_squeeze %dma_start3A_54 : memref<1x8192xi32, #tpu.memory_space<vmem_shared>> -> memref<8192xi32, #tpu.memory_space<vmem_shared>>
      tpu.enqueue_dma source(%dma_start3A_55 : memref<8192xi32, #tpu.memory_space<vmem_shared>>) target(%dma_start3A_52 : memref<8192xi32, #tpu.memory_space<vmem>>) target_semaphore(%arg10 : memref<!tpu.dma_semaphore, #tpu.memory_space<semaphore_mem>>)
      %dma_wait3A_56 = arith.constant 0 : i32
      %dma_wait3A_57 = tpu.memref_slice %arg3[%scan3A_15, %add3A, %dma_wait3A_56] : memref<26x32x100000xf32, #tpu.memory_space<hbm>> -> memref<1x1x100000xf32, #tpu.memory_space<hbm>>
      %dma_wait3A_58 = tpu.memref_squeeze %dma_wait3A_57 : memref<1x1x100000xf32, #tpu.memory_space<hbm>> -> memref<100000xf32, #tpu.memory_space<hbm>>
      %dma_wait3A_59 = arith.constant 0 : i32
      %dma_wait3A_60 = tpu.memref_slice %arg3[%scan3A_15, %add3A, %dma_wait3A_59] : memref<26x32x100000xf32, #tpu.memory_space<hbm>> -> memref<1x1x100000xf32, #tpu.memory_space<hbm>>
      %dma_wait3A_61 = tpu.memref_squeeze %dma_wait3A_60 : memref<1x1x100000xf32, #tpu.memory_space<hbm>> -> memref<100000xf32, #tpu.memory_space<hbm>>
      tpu.wait_dma2 semaphore(%arg9 : memref<!tpu.dma_semaphore, #tpu.memory_space<semaphore_mem>>) src(%dma_wait3A_61 : memref<100000xf32, #tpu.memory_space<hbm>>) dst(%arg5 : memref<100000xf32, #tpu.memory_space<vmem>>)
      %mul3A_62 = arith.constant 32 : i32
      %mul3A_63 = arith.muli %scan3A_15, %mul3A_62 : i32
      %add3A_64 = arith.addi %mul3A_63, %add3A : i32
      %dma_wait3A_65 = arith.constant 0 : i32
      %dma_wait3A_66 = arith.constant 0 : i32
      %dma_wait3A_67 = tpu.memref_slice %arg6[%dma_wait3A_65, %dma_wait3A_66] : memref<2x8192xi32, #tpu.memory_space<vmem>> -> memref<1x8192xi32, #tpu.memory_space<vmem>>
      %dma_wait3A_68 = tpu.memref_squeeze %dma_wait3A_67 : memref<1x8192xi32, #tpu.memory_space<vmem>> -> memref<8192xi32, #tpu.memory_space<vmem>>
      %dma_wait3A_69 = arith.constant 0 : i32
      %dma_wait3A_70 = tpu.memref_slice %arg8[%rem3A_16, %dma_wait3A_69] : memref<2x16384xi32, #tpu.memory_space<vmem_shared>> -> memref<1x8192xi32, #tpu.memory_space<vmem_shared>>
      %dma_wait3A_71 = tpu.memref_squeeze %dma_wait3A_70 : memref<1x8192xi32, #tpu.memory_space<vmem_shared>> -> memref<8192xi32, #tpu.memory_space<vmem_shared>>
      %dma_wait3A_72 = arith.constant 0 : i32
      %dma_wait3A_73 = tpu.memref_slice %arg6[%dma_wait3A_65, %dma_wait3A_72] : memref<2x8192xi32, #tpu.memory_space<vmem>> -> memref<1x8192xi32, #tpu.memory_space<vmem>>
      %dma_wait3A_74 = tpu.memref_squeeze %dma_wait3A_73 : memref<1x8192xi32, #tpu.memory_space<vmem>> -> memref<8192xi32, #tpu.memory_space<vmem>>
      %dma_wait3A_75 = arith.constant 0 : i32
      %dma_wait3A_76 = tpu.memref_slice %arg8[%rem3A_16, %dma_wait3A_75] : memref<2x16384xi32, #tpu.memory_space<vmem_shared>> -> memref<1x8192xi32, #tpu.memory_space<vmem_shared>>
      %dma_wait3A_77 = tpu.memref_squeeze %dma_wait3A_76 : memref<1x8192xi32, #tpu.memory_space<vmem_shared>> -> memref<8192xi32, #tpu.memory_space<vmem_shared>>
      tpu.wait_dma2 semaphore(%arg10 : memref<!tpu.dma_semaphore, #tpu.memory_space<semaphore_mem>>) src(%dma_wait3A_77 : memref<8192xi32, #tpu.memory_space<vmem_shared>>) dst(%dma_wait3A_74 : memref<8192xi32, #tpu.memory_space<vmem>>)
      %add3A_78 = arith.constant 0 : i32
      %add3A_79 = arith.addi %scan3A_15, %add3A_78 : i32
      %ge3A = arith.constant 1 : i32
      %ge3A_80 = arith.cmpi sge, %add3A_79, %ge3A : i32
      %convert_element_type3A_81 = arith.extui %ge3A_80 : i1 to i32
      %cond3A_82 = arith.constant 0 : i32
      %cond3A_83 = arith.cmpi ne, %convert_element_type3A_81, %cond3A_82 : i32
      scf.if %cond3A_83 {
        %sub3A = arith.constant 32 : i32
        %sub3A_138 = arith.subi %add3A_64, %sub3A : i32
        %dma_wait3A_139 = arith.constant 8192 : i32
        %dma_wait3A_140 = tpu.memref_slice %arg4[%sub3A_138, %dma_wait3A_139] : memref<832x16384xf32, #tpu.memory_space<hbm>> -> memref<1x8192xf32, #tpu.memory_space<hbm>>
        %dma_wait3A_141 = tpu.memref_squeeze %dma_wait3A_140 : memref<1x8192xf32, #tpu.memory_space<hbm>> -> memref<8192xf32, #tpu.memory_space<hbm>>
        %dma_wait3A_142 = arith.constant 8192 : i32
        %dma_wait3A_143 = tpu.memref_slice %arg4[%sub3A_138, %dma_wait3A_142] : memref<832x16384xf32, #tpu.memory_space<hbm>> -> memref<1x8192xf32, #tpu.memory_space<hbm>>
        %dma_wait3A_144 = tpu.memref_squeeze %dma_wait3A_143 : memref<1x8192xf32, #tpu.memory_space<hbm>> -> memref<8192xf32, #tpu.memory_space<hbm>>
        tpu.wait_dma2 semaphore(%arg11 : memref<!tpu.dma_semaphore, #tpu.memory_space<semaphore_mem>>) src(%arg7 : memref<8192xf32, #tpu.memory_space<vmem>>) dst(%dma_wait3A_144 : memref<8192xf32, #tpu.memory_space<hbm>>)
      } else {
      }
      %scan3A_84 = arith.constant 0 : i32
      %scan3A_85 = arith.constant 0 : i32
      %scan3A_86 = arith.constant 64 : i32
      %scan3A_87 = arith.addi %scan3A_85, %scan3A_86 : i32
      %scan3A_88 = arith.constant 1 : i32
      scf.for %scan3A_138 = %scan3A_85 to %scan3A_87 step %scan3A_88  : i32 {
        %mul3A_139 = arith.constant 128 : i32
        %mul3A_140 = arith.muli %scan3A_138, %mul3A_139 : i32
        %add3A_141 = arith.constant 0 : i32
        %add3A_142 = arith.addi %mul3A_140, %add3A_141 : i32
        %multiple_of3A = tpu.assume_multiple %add3A_142, 16 : i32
        %mul3A_143 = arith.constant 128 : i32
        %mul3A_144 = arith.muli %scan3A_138, %mul3A_143 : i32
        %add3A_145 = arith.constant 16 : i32
        %add3A_146 = arith.addi %mul3A_144, %add3A_145 : i32
        %multiple_of3A_147 = tpu.assume_multiple %add3A_146, 16 : i32
        %mul3A_148 = arith.constant 128 : i32
        %mul3A_149 = arith.muli %scan3A_138, %mul3A_148 : i32
        %add3A_150 = arith.constant 32 : i32
        %add3A_151 = arith.addi %mul3A_149, %add3A_150 : i32
        %multiple_of3A_152 = tpu.assume_multiple %add3A_151, 16 : i32
        %mul3A_153 = arith.constant 128 : i32
        %mul3A_154 = arith.muli %scan3A_138, %mul3A_153 : i32
        %add3A_155 = arith.constant 48 : i32
        %add3A_156 = arith.addi %mul3A_154, %add3A_155 : i32
        %multiple_of3A_157 = tpu.assume_multiple %add3A_156, 16 : i32
        %mul3A_158 = arith.constant 128 : i32
        %mul3A_159 = arith.muli %scan3A_138, %mul3A_158 : i32
        %add3A_160 = arith.constant 64 : i32
        %add3A_161 = arith.addi %mul3A_159, %add3A_160 : i32
        %multiple_of3A_162 = tpu.assume_multiple %add3A_161, 16 : i32
        %mul3A_163 = arith.constant 128 : i32
        %mul3A_164 = arith.muli %scan3A_138, %mul3A_163 : i32
        %add3A_165 = arith.constant 80 : i32
        %add3A_166 = arith.addi %mul3A_164, %add3A_165 : i32
        %multiple_of3A_167 = tpu.assume_multiple %add3A_166, 16 : i32
        %mul3A_168 = arith.constant 128 : i32
        %mul3A_169 = arith.muli %scan3A_138, %mul3A_168 : i32
        %add3A_170 = arith.constant 96 : i32
        %add3A_171 = arith.addi %mul3A_169, %add3A_170 : i32
        %multiple_of3A_172 = tpu.assume_multiple %add3A_171, 16 : i32
        %mul3A_173 = arith.constant 128 : i32
        %mul3A_174 = arith.muli %scan3A_138, %mul3A_173 : i32
        %add3A_175 = arith.constant 112 : i32
        %add3A_176 = arith.addi %mul3A_174, %add3A_175 : i32
        %multiple_of3A_177 = tpu.assume_multiple %add3A_176, 16 : i32
        %get3A = arith.constant 0 : i32
        %get3A_178 = arith.index_cast %get3A : i32 to index
        %get3A_179 = arith.index_cast %multiple_of3A : i32 to index
        %get3A_180 = tpu.vector_load %arg6[%get3A_178, %get3A_179] {strides = array<i32>} : memref<2x8192xi32, #tpu.memory_space<vmem>>, vector<16xi32>,
        %get3A_181 = arith.constant 0 : i32
        %get3A_182 = arith.index_cast %get3A_181 : i32 to index
        %get3A_183 = arith.index_cast %multiple_of3A_147 : i32 to index
        %get3A_184 = tpu.vector_load %arg6[%get3A_182, %get3A_183] {strides = array<i32>} : memref<2x8192xi32, #tpu.memory_space<vmem>>, vector<16xi32>,
        %get3A_185 = arith.constant 0 : i32
        %get3A_186 = arith.index_cast %get3A_185 : i32 to index
        %get3A_187 = arith.index_cast %multiple_of3A_152 : i32 to index
        %get3A_188 = tpu.vector_load %arg6[%get3A_186, %get3A_187] {strides = array<i32>} : memref<2x8192xi32, #tpu.memory_space<vmem>>, vector<16xi32>,
        %get3A_189 = arith.constant 0 : i32
        %get3A_190 = arith.index_cast %get3A_189 : i32 to index
        %get3A_191 = arith.index_cast %multiple_of3A_157 : i32 to index
        %get3A_192 = tpu.vector_load %arg6[%get3A_190, %get3A_191] {strides = array<i32>} : memref<2x8192xi32, #tpu.memory_space<vmem>>, vector<16xi32>,
        %get3A_193 = arith.constant 0 : i32
        %get3A_194 = arith.index_cast %get3A_193 : i32 to index
        %get3A_195 = arith.index_cast %multiple_of3A_162 : i32 to index
        %get3A_196 = tpu.vector_load %arg6[%get3A_194, %get3A_195] {strides = array<i32>} : memref<2x8192xi32, #tpu.memory_space<vmem>>, vector<16xi32>,
        %get3A_197 = arith.constant 0 : i32
        %get3A_198 = arith.index_cast %get3A_197 : i32 to index
        %get3A_199 = arith.index_cast %multiple_of3A_167 : i32 to index
        %get3A_200 = tpu.vector_load %arg6[%get3A_198, %get3A_199] {strides = array<i32>} : memref<2x8192xi32, #tpu.memory_space<vmem>>, vector<16xi32>,
        %get3A_201 = arith.constant 0 : i32
        %get3A_202 = arith.index_cast %get3A_201 : i32 to index
        %get3A_203 = arith.index_cast %multiple_of3A_172 : i32 to index
        %get3A_204 = tpu.vector_load %arg6[%get3A_202, %get3A_203] {strides = array<i32>} : memref<2x8192xi32, #tpu.memory_space<vmem>>, vector<16xi32>,
        %get3A_205 = arith.constant 0 : i32
        %get3A_206 = arith.index_cast %get3A_205 : i32 to index
        %get3A_207 = arith.index_cast %multiple_of3A_177 : i32 to index
        %get3A_208 = tpu.vector_load %arg6[%get3A_206, %get3A_207] {strides = array<i32>} : memref<2x8192xi32, #tpu.memory_space<vmem>>, vector<16xi32>,
        %gather3A = tpu.vector_load_idx %arg5[%get3A_180] : memref<100000xf32, #tpu.memory_space<vmem>>[vector<16xi32>], vector<16xf32>,
        %gather3A_209 = tpu.vector_load_idx %arg5[%get3A_184] : memref<100000xf32, #tpu.memory_space<vmem>>[vector<16xi32>], vector<16xf32>,
        %gather3A_210 = tpu.vector_load_idx %arg5[%get3A_188] : memref<100000xf32, #tpu.memory_space<vmem>>[vector<16xi32>], vector<16xf32>,
        %gather3A_211 = tpu.vector_load_idx %arg5[%get3A_192] : memref<100000xf32, #tpu.memory_space<vmem>>[vector<16xi32>], vector<16xf32>,
        %gather3A_212 = tpu.vector_load_idx %arg5[%get3A_196] : memref<100000xf32, #tpu.memory_space<vmem>>[vector<16xi32>], vector<16xf32>,
        %gather3A_213 = tpu.vector_load_idx %arg5[%get3A_200] : memref<100000xf32, #tpu.memory_space<vmem>>[vector<16xi32>], vector<16xf32>,
        %gather3A_214 = tpu.vector_load_idx %arg5[%get3A_204] : memref<100000xf32, #tpu.memory_space<vmem>>[vector<16xi32>], vector<16xf32>,
        %gather3A_215 = tpu.vector_load_idx %arg5[%get3A_208] : memref<100000xf32, #tpu.memory_space<vmem>>[vector<16xi32>], vector<16xf32>,
        %swap3A = arith.index_cast %multiple_of3A : i32 to index
        %swap3A_216 = tpu.vector_load %arg7[%swap3A] {strides = array<i32>} : memref<8192xf32, #tpu.memory_space<vmem>>, vector<16xf32>,
        tpu.vector_store %arg7[%swap3A], %gather3A {strides = array<i32>} : memref<8192xf32, #tpu.memory_space<vmem>>, vector<16xf32>,
        %swap3A_217 = arith.index_cast %multiple_of3A_147 : i32 to index
        %swap3A_218 = tpu.vector_load %arg7[%swap3A_217] {strides = array<i32>} : memref<8192xf32, #tpu.memory_space<vmem>>, vector<16xf32>,
        tpu.vector_store %arg7[%swap3A_217], %gather3A_209 {strides = array<i32>} : memref<8192xf32, #tpu.memory_space<vmem>>, vector<16xf32>,
        %swap3A_219 = arith.index_cast %multiple_of3A_152 : i32 to index
        %swap3A_220 = tpu.vector_load %arg7[%swap3A_219] {strides = array<i32>} : memref<8192xf32, #tpu.memory_space<vmem>>, vector<16xf32>,
        tpu.vector_store %arg7[%swap3A_219], %gather3A_210 {strides = array<i32>} : memref<8192xf32, #tpu.memory_space<vmem>>, vector<16xf32>,
        %swap3A_221 = arith.index_cast %multiple_of3A_157 : i32 to index
        %swap3A_222 = tpu.vector_load %arg7[%swap3A_221] {strides = array<i32>} : memref<8192xf32, #tpu.memory_space<vmem>>, vector<16xf32>,
        tpu.vector_store %arg7[%swap3A_221], %gather3A_211 {strides = array<i32>} : memref<8192xf32, #tpu.memory_space<vmem>>, vector<16xf32>,
        %swap3A_223 = arith.index_cast %multiple_of3A_162 : i32 to index
        %swap3A_224 = tpu.vector_load %arg7[%swap3A_223] {strides = array<i32>} : memref<8192xf32, #tpu.memory_space<vmem>>, vector<16xf32>,
        tpu.vector_store %arg7[%swap3A_223], %gather3A_212 {strides = array<i32>} : memref<8192xf32, #tpu.memory_space<vmem>>, vector<16xf32>,
        %swap3A_225 = arith.index_cast %multiple_of3A_167 : i32 to index
        %swap3A_226 = tpu.vector_load %arg7[%swap3A_225] {strides = array<i32>} : memref<8192xf32, #tpu.memory_space<vmem>>, vector<16xf32>,
        tpu.vector_store %arg7[%swap3A_225], %gather3A_213 {strides = array<i32>} : memref<8192xf32, #tpu.memory_space<vmem>>, vector<16xf32>,
        %swap3A_227 = arith.index_cast %multiple_of3A_172 : i32 to index
        %swap3A_228 = tpu.vector_load %arg7[%swap3A_227] {strides = array<i32>} : memref<8192xf32, #tpu.memory_space<vmem>>, vector<16xf32>,
        tpu.vector_store %arg7[%swap3A_227], %gather3A_214 {strides = array<i32>} : memref<8192xf32, #tpu.memory_space<vmem>>, vector<16xf32>,
        %swap3A_229 = arith.index_cast %multiple_of3A_177 : i32 to index
        %swap3A_230 = tpu.vector_load %arg7[%swap3A_229] {strides = array<i32>} : memref<8192xf32, #tpu.memory_space<vmem>>, vector<16xf32>,
        tpu.vector_store %arg7[%swap3A_229], %gather3A_215 {strides = array<i32>} : memref<8192xf32, #tpu.memory_space<vmem>>, vector<16xf32>,
      }
      %scan3A_89 = arith.constant 64 : i32
      %dma_start3A_90 = arith.constant 0 : i32
      %dma_start3A_91 = tpu.memref_slice %arg4[%add3A_64, %dma_start3A_90] : memref<832x16384xf32, #tpu.memory_space<hbm>> -> memref<1x8192xf32, #tpu.memory_space<hbm>>
      %dma_start3A_92 = tpu.memref_squeeze %dma_start3A_91 : memref<1x8192xf32, #tpu.memory_space<hbm>> -> memref<8192xf32, #tpu.memory_space<hbm>>
      %dma_start3A_93 = arith.constant 0 : i32
      %dma_start3A_94 = tpu.memref_slice %arg4[%add3A_64, %dma_start3A_93] : memref<832x16384xf32, #tpu.memory_space<hbm>> -> memref<1x8192xf32, #tpu.memory_space<hbm>>
      %dma_start3A_95 = tpu.memref_squeeze %dma_start3A_94 : memref<1x8192xf32, #tpu.memory_space<hbm>> -> memref<8192xf32, #tpu.memory_space<hbm>>
      tpu.enqueue_dma source(%arg7 : memref<8192xf32, #tpu.memory_space<vmem>>) target(%dma_start3A_95 : memref<8192xf32, #tpu.memory_space<hbm>>) target_semaphore(%arg11 : memref<!tpu.dma_semaphore, #tpu.memory_space<semaphore_mem>>)
      %dma_wait3A_96 = arith.constant 1 : i32
      %dma_wait3A_97 = arith.constant 0 : i32
      %dma_wait3A_98 = tpu.memref_slice %arg6[%dma_wait3A_96, %dma_wait3A_97] : memref<2x8192xi32, #tpu.memory_space<vmem>> -> memref<1x8192xi32, #tpu.memory_space<vmem>>
      %dma_wait3A_99 = tpu.memref_squeeze %dma_wait3A_98 : memref<1x8192xi32, #tpu.memory_space<vmem>> -> memref<8192xi32, #tpu.memory_space<vmem>>
      %dma_wait3A_100 = arith.constant 8192 : i32
      %dma_wait3A_101 = tpu.memref_slice %arg8[%rem3A_16, %dma_wait3A_100] : memref<2x16384xi32, #tpu.memory_space<vmem_shared>> -> memref<1x8192xi32, #tpu.memory_space<vmem_shared>>
      %dma_wait3A_102 = tpu.memref_squeeze %dma_wait3A_101 : memref<1x8192xi32, #tpu.memory_space<vmem_shared>> -> memref<8192xi32, #tpu.memory_space<vmem_shared>>
      %dma_wait3A_103 = arith.constant 0 : i32
      %dma_wait3A_104 = tpu.memref_slice %arg6[%dma_wait3A_96, %dma_wait3A_103] : memref<2x8192xi32, #tpu.memory_space<vmem>> -> memref<1x8192xi32, #tpu.memory_space<vmem>>
      %dma_wait3A_105 = tpu.memref_squeeze %dma_wait3A_104 : memref<1x8192xi32, #tpu.memory_space<vmem>> -> memref<8192xi32, #tpu.memory_space<vmem>>
      %dma_wait3A_106 = arith.constant 8192 : i32
      %dma_wait3A_107 = tpu.memref_slice %arg8[%rem3A_16, %dma_wait3A_106] : memref<2x16384xi32, #tpu.memory_space<vmem_shared>> -> memref<1x8192xi32, #tpu.memory_space<vmem_shared>>
      %dma_wait3A_108 = tpu.memref_squeeze %dma_wait3A_107 : memref<1x8192xi32, #tpu.memory_space<vmem_shared>> -> memref<8192xi32, #tpu.memory_space<vmem_shared>>
      tpu.wait_dma2 semaphore(%arg10 : memref<!tpu.dma_semaphore, #tpu.memory_space<semaphore_mem>>) src(%dma_wait3A_108 : memref<8192xi32, #tpu.memory_space<vmem_shared>>) dst(%dma_wait3A_105 : memref<8192xi32, #tpu.memory_space<vmem>>)
      %add3A_109 = arith.constant 1 : i32
      %add3A_110 = arith.addi %scan3A_15, %add3A_109 : i32
      %ge3A_111 = arith.constant 1 : i32
      %ge3A_112 = arith.cmpi sge, %add3A_110, %ge3A_111 : i32
      %convert_element_type3A_113 = arith.extui %ge3A_112 : i1 to i32
      %cond3A_114 = arith.constant 0 : i32
      %cond3A_115 = arith.cmpi ne, %convert_element_type3A_113, %cond3A_114 : i32
      scf.if %cond3A_115 {
        %dma_wait3A_138 = arith.constant 0 : i32
        %dma_wait3A_139 = tpu.memref_slice %arg4[%add3A_64, %dma_wait3A_138] : memref<832x16384xf32, #tpu.memory_space<hbm>> -> memref<1x8192xf32, #tpu.memory_space<hbm>>
        %dma_wait3A_140 = tpu.memref_squeeze %dma_wait3A_139 : memref<1x8192xf32, #tpu.memory_space<hbm>> -> memref<8192xf32, #tpu.memory_space<hbm>>
        %dma_wait3A_141 = arith.constant 0 : i32
        %dma_wait3A_142 = tpu.memref_slice %arg4[%add3A_64, %dma_wait3A_141] : memref<832x16384xf32, #tpu.memory_space<hbm>> -> memref<1x8192xf32, #tpu.memory_space<hbm>>
        %dma_wait3A_143 = tpu.memref_squeeze %dma_wait3A_142 : memref<1x8192xf32, #tpu.memory_space<hbm>> -> memref<8192xf32, #tpu.memory_space<hbm>>
        tpu.wait_dma2 semaphore(%arg11 : memref<!tpu.dma_semaphore, #tpu.memory_space<semaphore_mem>>) src(%arg7 : memref<8192xf32, #tpu.memory_space<vmem>>) dst(%dma_wait3A_143 : memref<8192xf32, #tpu.memory_space<hbm>>)
      } else {
      }
      %scan3A_116 = arith.constant 0 : i32
      %scan3A_117 = arith.constant 0 : i32
      %scan3A_118 = arith.constant 64 : i32
      %scan3A_119 = arith.addi %scan3A_117, %scan3A_118 : i32
      %scan3A_120 = arith.constant 1 : i32
      scf.for %scan3A_138 = %scan3A_117 to %scan3A_119 step %scan3A_120  : i32 {
        %mul3A_139 = arith.constant 128 : i32
        %mul3A_140 = arith.muli %scan3A_138, %mul3A_139 : i32
        %add3A_141 = arith.constant 0 : i32
        %add3A_142 = arith.addi %mul3A_140, %add3A_141 : i32
        %multiple_of3A = tpu.assume_multiple %add3A_142, 16 : i32
        %mul3A_143 = arith.constant 128 : i32
        %mul3A_144 = arith.muli %scan3A_138, %mul3A_143 : i32
        %add3A_145 = arith.constant 16 : i32
        %add3A_146 = arith.addi %mul3A_144, %add3A_145 : i32
        %multiple_of3A_147 = tpu.assume_multiple %add3A_146, 16 : i32
        %mul3A_148 = arith.constant 128 : i32
        %mul3A_149 = arith.muli %scan3A_138, %mul3A_148 : i32
        %add3A_150 = arith.constant 32 : i32
        %add3A_151 = arith.addi %mul3A_149, %add3A_150 : i32
        %multiple_of3A_152 = tpu.assume_multiple %add3A_151, 16 : i32
        %mul3A_153 = arith.constant 128 : i32
        %mul3A_154 = arith.muli %scan3A_138, %mul3A_153 : i32
        %add3A_155 = arith.constant 48 : i32
        %add3A_156 = arith.addi %mul3A_154, %add3A_155 : i32
        %multiple_of3A_157 = tpu.assume_multiple %add3A_156, 16 : i32
        %mul3A_158 = arith.constant 128 : i32
        %mul3A_159 = arith.muli %scan3A_138, %mul3A_158 : i32
        %add3A_160 = arith.constant 64 : i32
        %add3A_161 = arith.addi %mul3A_159, %add3A_160 : i32
        %multiple_of3A_162 = tpu.assume_multiple %add3A_161, 16 : i32
        %mul3A_163 = arith.constant 128 : i32
        %mul3A_164 = arith.muli %scan3A_138, %mul3A_163 : i32
        %add3A_165 = arith.constant 80 : i32
        %add3A_166 = arith.addi %mul3A_164, %add3A_165 : i32
        %multiple_of3A_167 = tpu.assume_multiple %add3A_166, 16 : i32
        %mul3A_168 = arith.constant 128 : i32
        %mul3A_169 = arith.muli %scan3A_138, %mul3A_168 : i32
        %add3A_170 = arith.constant 96 : i32
        %add3A_171 = arith.addi %mul3A_169, %add3A_170 : i32
        %multiple_of3A_172 = tpu.assume_multiple %add3A_171, 16 : i32
        %mul3A_173 = arith.constant 128 : i32
        %mul3A_174 = arith.muli %scan3A_138, %mul3A_173 : i32
        %add3A_175 = arith.constant 112 : i32
        %add3A_176 = arith.addi %mul3A_174, %add3A_175 : i32
        %multiple_of3A_177 = tpu.assume_multiple %add3A_176, 16 : i32
        %get3A = arith.constant 1 : i32
        %get3A_178 = arith.index_cast %get3A : i32 to index
        %get3A_179 = arith.index_cast %multiple_of3A : i32 to index
        %get3A_180 = tpu.vector_load %arg6[%get3A_178, %get3A_179] {strides = array<i32>} : memref<2x8192xi32, #tpu.memory_space<vmem>>, vector<16xi32>,
        %get3A_181 = arith.constant 1 : i32
        %get3A_182 = arith.index_cast %get3A_181 : i32 to index
        %get3A_183 = arith.index_cast %multiple_of3A_147 : i32 to index
        %get3A_184 = tpu.vector_load %arg6[%get3A_182, %get3A_183] {strides = array<i32>} : memref<2x8192xi32, #tpu.memory_space<vmem>>, vector<16xi32>,
        %get3A_185 = arith.constant 1 : i32
        %get3A_186 = arith.index_cast %get3A_185 : i32 to index
        %get3A_187 = arith.index_cast %multiple_of3A_152 : i32 to index
        %get3A_188 = tpu.vector_load %arg6[%get3A_186, %get3A_187] {strides = array<i32>} : memref<2x8192xi32, #tpu.memory_space<vmem>>, vector<16xi32>,
        %get3A_189 = arith.constant 1 : i32
        %get3A_190 = arith.index_cast %get3A_189 : i32 to index
        %get3A_191 = arith.index_cast %multiple_of3A_157 : i32 to index
        %get3A_192 = tpu.vector_load %arg6[%get3A_190, %get3A_191] {strides = array<i32>} : memref<2x8192xi32, #tpu.memory_space<vmem>>, vector<16xi32>,
        %get3A_193 = arith.constant 1 : i32
        %get3A_194 = arith.index_cast %get3A_193 : i32 to index
        %get3A_195 = arith.index_cast %multiple_of3A_162 : i32 to index
        %get3A_196 = tpu.vector_load %arg6[%get3A_194, %get3A_195] {strides = array<i32>} : memref<2x8192xi32, #tpu.memory_space<vmem>>, vector<16xi32>,
        %get3A_197 = arith.constant 1 : i32
        %get3A_198 = arith.index_cast %get3A_197 : i32 to index
        %get3A_199 = arith.index_cast %multiple_of3A_167 : i32 to index
        %get3A_200 = tpu.vector_load %arg6[%get3A_198, %get3A_199] {strides = array<i32>} : memref<2x8192xi32, #tpu.memory_space<vmem>>, vector<16xi32>,
        %get3A_201 = arith.constant 1 : i32
        %get3A_202 = arith.index_cast %get3A_201 : i32 to index
        %get3A_203 = arith.index_cast %multiple_of3A_172 : i32 to index
        %get3A_204 = tpu.vector_load %arg6[%get3A_202, %get3A_203] {strides = array<i32>} : memref<2x8192xi32, #tpu.memory_space<vmem>>, vector<16xi32>,
        %get3A_205 = arith.constant 1 : i32
        %get3A_206 = arith.index_cast %get3A_205 : i32 to index
        %get3A_207 = arith.index_cast %multiple_of3A_177 : i32 to index
        %get3A_208 = tpu.vector_load %arg6[%get3A_206, %get3A_207] {strides = array<i32>} : memref<2x8192xi32, #tpu.memory_space<vmem>>, vector<16xi32>,
        %gather3A = tpu.vector_load_idx %arg5[%get3A_180] : memref<100000xf32, #tpu.memory_space<vmem>>[vector<16xi32>], vector<16xf32>,
        %gather3A_209 = tpu.vector_load_idx %arg5[%get3A_184] : memref<100000xf32, #tpu.memory_space<vmem>>[vector<16xi32>], vector<16xf32>,
        %gather3A_210 = tpu.vector_load_idx %arg5[%get3A_188] : memref<100000xf32, #tpu.memory_space<vmem>>[vector<16xi32>], vector<16xf32>,
        %gather3A_211 = tpu.vector_load_idx %arg5[%get3A_192] : memref<100000xf32, #tpu.memory_space<vmem>>[vector<16xi32>], vector<16xf32>,
        %gather3A_212 = tpu.vector_load_idx %arg5[%get3A_196] : memref<100000xf32, #tpu.memory_space<vmem>>[vector<16xi32>], vector<16xf32>,
        %gather3A_213 = tpu.vector_load_idx %arg5[%get3A_200] : memref<100000xf32, #tpu.memory_space<vmem>>[vector<16xi32>], vector<16xf32>,
        %gather3A_214 = tpu.vector_load_idx %arg5[%get3A_204] : memref<100000xf32, #tpu.memory_space<vmem>>[vector<16xi32>], vector<16xf32>,
        %gather3A_215 = tpu.vector_load_idx %arg5[%get3A_208] : memref<100000xf32, #tpu.memory_space<vmem>>[vector<16xi32>], vector<16xf32>,
        %swap3A = arith.index_cast %multiple_of3A : i32 to index
        %swap3A_216 = tpu.vector_load %arg7[%swap3A] {strides = array<i32>} : memref<8192xf32, #tpu.memory_space<vmem>>, vector<16xf32>,
        tpu.vector_store %arg7[%swap3A], %gather3A {strides = array<i32>} : memref<8192xf32, #tpu.memory_space<vmem>>, vector<16xf32>,
        %swap3A_217 = arith.index_cast %multiple_of3A_147 : i32 to index
        %swap3A_218 = tpu.vector_load %arg7[%swap3A_217] {strides = array<i32>} : memref<8192xf32, #tpu.memory_space<vmem>>, vector<16xf32>,
        tpu.vector_store %arg7[%swap3A_217], %gather3A_209 {strides = array<i32>} : memref<8192xf32, #tpu.memory_space<vmem>>, vector<16xf32>,
        %swap3A_219 = arith.index_cast %multiple_of3A_152 : i32 to index
        %swap3A_220 = tpu.vector_load %arg7[%swap3A_219] {strides = array<i32>} : memref<8192xf32, #tpu.memory_space<vmem>>, vector<16xf32>,
        tpu.vector_store %arg7[%swap3A_219], %gather3A_210 {strides = array<i32>} : memref<8192xf32, #tpu.memory_space<vmem>>, vector<16xf32>,
        %swap3A_221 = arith.index_cast %multiple_of3A_157 : i32 to index
        %swap3A_222 = tpu.vector_load %arg7[%swap3A_221] {strides = array<i32>} : memref<8192xf32, #tpu.memory_space<vmem>>, vector<16xf32>,
        tpu.vector_store %arg7[%swap3A_221], %gather3A_211 {strides = array<i32>} : memref<8192xf32, #tpu.memory_space<vmem>>, vector<16xf32>,
        %swap3A_223 = arith.index_cast %multiple_of3A_162 : i32 to index
        %swap3A_224 = tpu.vector_load %arg7[%swap3A_223] {strides = array<i32>} : memref<8192xf32, #tpu.memory_space<vmem>>, vector<16xf32>,
        tpu.vector_store %arg7[%swap3A_223], %gather3A_212 {strides = array<i32>} : memref<8192xf32, #tpu.memory_space<vmem>>, vector<16xf32>,
        %swap3A_225 = arith.index_cast %multiple_of3A_167 : i32 to index
        %swap3A_226 = tpu.vector_load %arg7[%swap3A_225] {strides = array<i32>} : memref<8192xf32, #tpu.memory_space<vmem>>, vector<16xf32>,
        tpu.vector_store %arg7[%swap3A_225], %gather3A_213 {strides = array<i32>} : memref<8192xf32, #tpu.memory_space<vmem>>, vector<16xf32>,
        %swap3A_227 = arith.index_cast %multiple_of3A_172 : i32 to index
        %swap3A_228 = tpu.vector_load %arg7[%swap3A_227] {strides = array<i32>} : memref<8192xf32, #tpu.memory_space<vmem>>, vector<16xf32>,
        tpu.vector_store %arg7[%swap3A_227], %gather3A_214 {strides = array<i32>} : memref<8192xf32, #tpu.memory_space<vmem>>, vector<16xf32>,
        %swap3A_229 = arith.index_cast %multiple_of3A_177 : i32 to index
        %swap3A_230 = tpu.vector_load %arg7[%swap3A_229] {strides = array<i32>} : memref<8192xf32, #tpu.memory_space<vmem>>, vector<16xf32>,
        tpu.vector_store %arg7[%swap3A_229], %gather3A_215 {strides = array<i32>} : memref<8192xf32, #tpu.memory_space<vmem>>, vector<16xf32>,
      }
      %scan3A_121 = arith.constant 64 : i32
      %dma_start3A_122 = arith.constant 8192 : i32
      %dma_start3A_123 = tpu.memref_slice %arg4[%add3A_64, %dma_start3A_122] : memref<832x16384xf32, #tpu.memory_space<hbm>> -> memref<1x8192xf32, #tpu.memory_space<hbm>>
      %dma_start3A_124 = tpu.memref_squeeze %dma_start3A_123 : memref<1x8192xf32, #tpu.memory_space<hbm>> -> memref<8192xf32, #tpu.memory_space<hbm>>
      %dma_start3A_125 = arith.constant 8192 : i32
      %dma_start3A_126 = tpu.memref_slice %arg4[%add3A_64, %dma_start3A_125] : memref<832x16384xf32, #tpu.memory_space<hbm>> -> memref<1x8192xf32, #tpu.memory_space<hbm>>
      %dma_start3A_127 = tpu.memref_squeeze %dma_start3A_126 : memref<1x8192xf32, #tpu.memory_space<hbm>> -> memref<8192xf32, #tpu.memory_space<hbm>>
      tpu.enqueue_dma source(%arg7 : memref<8192xf32, #tpu.memory_space<vmem>>) target(%dma_start3A_127 : memref<8192xf32, #tpu.memory_space<hbm>>) target_semaphore(%arg11 : memref<!tpu.dma_semaphore, #tpu.memory_space<semaphore_mem>>)
      %eq3A_128 = arith.constant 0 : i32
      %eq3A_129 = arith.cmpi eq, %arg1, %eq3A_128 : i32
      %add3A_130 = arith.constant 1 : i32
      %add3A_131 = arith.addi %scan3A_15, %add3A_130 : i32
      %lt3A_132 = arith.constant 26 : i32
      %lt3A_133 = arith.cmpi slt, %add3A_131, %lt3A_132 : i32
      %and3A_134 = arith.andi %eq3A_129, %lt3A_133 : i1
      %convert_element_type3A_135 = arith.extui %and3A_134 : i1 to i32
      %cond3A_136 = arith.constant 0 : i32
      %cond3A_137 = arith.cmpi ne, %convert_element_type3A_135, %cond3A_136 : i32
      scf.if %cond3A_137 {
        %add3A_138 = arith.constant 1 : i32
        %add3A_139 = arith.addi %scan3A_15, %add3A_138 : i32
        %sub3A = arith.constant 1 : i32
        %sub3A_140 = arith.subi %sub3A, %rem3A_16 : i32
        %dma_wait3A_141 = arith.constant 0 : i32
        %dma_wait3A_142 = tpu.memref_slice %arg8[%sub3A_140, %dma_wait3A_141] : memref<2x16384xi32, #tpu.memory_space<vmem_shared>> -> memref<1x16384xi32, #tpu.memory_space<vmem_shared>>
        %dma_wait3A_143 = tpu.memref_squeeze %dma_wait3A_142 : memref<1x16384xi32, #tpu.memory_space<vmem_shared>> -> memref<16384xi32, #tpu.memory_space<vmem_shared>>
        %dma_wait3A_144 = arith.constant 0 : i32
        %dma_wait3A_145 = tpu.memref_slice %arg2[%add3A_139, %dma_wait3A_144] : memref<26x16384xi32, #tpu.memory_space<hbm>> -> memref<1x16384xi32, #tpu.memory_space<hbm>>
        %dma_wait3A_146 = tpu.memref_squeeze %dma_wait3A_145 : memref<1x16384xi32, #tpu.memory_space<hbm>> -> memref<16384xi32, #tpu.memory_space<hbm>>
        tpu.wait_dma2 semaphore(%arg12 : memref<!tpu.dma_semaphore, #tpu.memory_space<semaphore_mem>>) src(%dma_wait3A_146 : memref<16384xi32, #tpu.memory_space<hbm>>) dst(%dma_wait3A_143 : memref<16384xi32, #tpu.memory_space<vmem_shared>>)
      } else {
      }
    }
    %scan3A_7 = arith.constant 26 : i32
    %add3A_8 = arith.constant 800 : i32
    %add3A_9 = arith.addi %add3A_8, %add3A : i32
    %dma_wait3A = arith.constant 8192 : i32
    %dma_wait3A_10 = tpu.memref_slice %arg4[%add3A_9, %dma_wait3A] : memref<832x16384xf32, #tpu.memory_space<hbm>> -> memref<1x8192xf32, #tpu.memory_space<hbm>>
    %dma_wait3A_11 = tpu.memref_squeeze %dma_wait3A_10 : memref<1x8192xf32, #tpu.memory_space<hbm>> -> memref<8192xf32, #tpu.memory_space<hbm>>
    %dma_wait3A_12 = arith.constant 8192 : i32
    %dma_wait3A_13 = tpu.memref_slice %arg4[%add3A_9, %dma_wait3A_12] : memref<832x16384xf32, #tpu.memory_space<hbm>> -> memref<1x8192xf32, #tpu.memory_space<hbm>>
    %dma_wait3A_14 = tpu.memref_squeeze %dma_wait3A_13 : memref<1x8192xf32, #tpu.memory_space<hbm>> -> memref<8192xf32, #tpu.memory_space<hbm>>
    tpu.wait_dma2 semaphore(%arg11 : memref<!tpu.dma_semaphore, #tpu.memory_space<semaphore_mem>>) src(%arg7 : memref<8192xf32, #tpu.memory_space<vmem>>) dst(%dma_wait3A_14 : memref<8192xf32, #tpu.memory_space<hbm>>)
    return
  }
}

</mosaic_0001>

<sc_bundles>
// kernel: _binned_embed.3.cloned.1.call-start
scs
__scs_entry_jumppad:
0x0: {  	(pc) =	sbr.rel $0x88, $3  }
0x1: {  	(tag) =	ssettag $0x0;
	lr =	simm.s32 $0x1  }
0x2: {  	[smem:$0x3F9F] =	sst lr;
	_ =	strace $0xD0000000  }
0x3: {  	_ = 	snop  }
0x4: {  	_ = 	snop  }
0x5: {  	_ = 	snop  }
0x6: {  	_ = 	snop  }
0x7: {  	_ = 	snop  }
__scs_overlays_trampoline_lowered:
0x8: {  	[smem:$0x3FAE] =	sst s0  }
0x9: {  	[smem:$0x3FAF] =	sst s1  }
0xa: {  	[smem:$0x3FB0] =	sst s2  }
0xb: {  	[smem:$0x3FB1] =	sst s3  }
0xc: {  	[smem:$0x3FB2] =	sst s4  }
0xd: {  	[smem:$0x3FB3] =	sst s5  }
0xe: {  	[smem:$0x3FB4] =	sst s6  }
0xf: {  	[smem:$0x3FB5] =	sst s7  }
0x10: {  	[smem:$0x3FB6] =	sst s8  }
0x11: {  	[smem:$0x3FB7] =	sst s9;
	s0 =	simm.s32 @!p0 $0x0  }
0x12: {  	s1 =	sld [smem:$0x3F9D];
	s0 =	simm.s32 @p0 $0x1  }
0x13: {  	[smem:$0x3FB8] =	sst s0;
	s0 =	simm.s32 @!p1 $0x0  }
0x14: {  	s2 =	sld [smem:$0x3F9C];
	s0 =	simm.s32 @p1 $0x1  }
0x15: {  	[smem:$0x3FB9] =	sst s0;
	s0 =	simm.s32 @!p2 $0x0  }
0x16: {  	s3 =	sld [smem:$0x3FDB];
	s0 =	simm.s32 @p2 $0x1  }
0x17: {  	s4 =	simm.s32 $0x1BF5;
	[smem:$0x3FBB] =	sst s0  }
0x18: {  	s0 =	sld [smem:$0x3F9E];
	_ =	swait.ge [sflag:s4], $0x0  }
0x19: {  	s7 =	sld [smem:$0x3F9F]  }
0x1a: {  	s8 =	sadd.s32 $0xFFFFE003, lr  }
0x1b: {  	s9 =	sadd.s32 $0xFFFFFEF7, lr;
	s5 =	simm.s32 $0xFFFFFFFF;
	p2 =	slt.u32 s8, $0xFFFFF086  }
0x1c: {  	p1 =	slt.u32 s9, $0xF7A;
	s5 =	simm.s32 @!p2 $0x0  }
0x1d: {  	s5 =	simm.s32 @p1 $0x1;
	p0 =	seq.s32 s7, s2  }
0x1e: {  	s7 =	smul.u32 @!p0 $0xF7A, s2;
	p2 =	seq.s32 @!p0 s5, $0x0  }
0x1f: {  	s9 =	smul.u32 $0xF7A, s1;
	s8 =	simm.s32 @!p0 $0x1BF5;
	p2 =	por !p2, p0  }
0x20: {  	[sflag:s8] =	ssyncset.s32 @!p0 $0xFFFFF086;
	s6 =	sadd.s32 @!p0 s3, s7;
	s7 =	simm.s32 @!p0 $0x108  }
0x21: {  	s3 =	sadd.s32 s3, s9;
	s6 =	sadd.s32 @!p0 $0x88, s6;
	s7 =	simm.s32 @p2 $0x1082  }
0x22: {  	[simem:s7], [sflag:s8] =	dma.local @!p0 [hbm:s6], $0xF7A  }
0x23: {  	s9 =	sor.u32 $0xD0000000, s2;
	s6 =	simm.s32 $0x108;
	_ =	swait.ge @!p0 [sflag:s8], $0x0  }
0x24: {  	s3 =	sadd.s32 $0x88, s3;
	s6 =	simm.s32 @!p1 $0x1082;
	[sflag:s4] =	ssyncset.s32 $0xFFFFF086  }
0x25: {  	[simem:s6], [sflag:s4] =	dma.local [hbm:s3], $0xF7A  }
0x26: {  	[smem:$0x3F9F] =	sst s1;
	(tag) =	ssettag s2;
	_ =	strace s9  }
0x27: {  	s1 =	sld [smem:$0x3FAF]  }
0x28: {  	s2 =	sld [smem:$0x3FB0]  }
0x29: {  	s4 =	sld [smem:$0x3FB2]  }
0x2a: {  	p0 =	seq.s32 s5, $0x0;
	s5 =	sld [smem:$0x3FB3]  }
0x2b: {  	s6 =	sld [smem:$0x3FB4]  }
0x2c: {  	s7 =	sld [smem:$0x3FB5]  }
0x2d: {  	s3 =	simm.s32 $0x108;
	s8 =	sld [smem:$0x3FB6]  }
0x2e: {  	s3 =	simm.s32 @!p0 $0x1082;
	s9 =	sld [smem:$0x3FB7]  }
0x2f: {  	lr =	sadd.s32 s0, s3;
	s0 =	sld [smem:$0x3FAE]  }
0x30: {  	s3 =	sld [smem:$0x3FB1]  }
0x31: {  	[smem:$0x3FBA] =	sst s10  }
0x32: {  	s10 =	sld [smem:$0x3FB8];
	_ =	sdelay $0x3  }
0x33: {  	p0 =	seq.s32 s10, $0x1;
	s10 =	sld [smem:$0x3FBA];
	_ =	sdelay $0x3  }
0x34: {  	[smem:$0x3FBA] =	sst s10  }
0x35: {  	s10 =	sld [smem:$0x3FB9];
	_ =	sdelay $0x3  }
0x36: {  	p1 =	seq.s32 s10, $0x1;
	s10 =	sld [smem:$0x3FBA];
	_ =	sdelay $0x3  }
0x37: {  	[smem:$0x3FBA] =	sst s10  }
0x38: {  	s10 =	sld [smem:$0x3FBB]  }
0x39: {  	_ = 	snop;
	(pc) =	sbr.ind lr, $3  }
0x3a: {  	_ = 	snop  }
0x3b: {  	_ = 	snop  }
0x3c: {  	p2 =	seq.s32 s10, $0x1;
	s10 =	sld [smem:$0x3FBA]  }
0x3d: {  	_ =	shalt  }
0x3e: {  	_ =	shalt  }
0x3f: {  	_ =	shalt  }
0x40: {  	_ =	shalt  }
0x41: {  	_ =	shalt  }
0x42: {  	_ =	shalt  }
0x43: {  	_ =	shalt  }
0x44: {  	_ =	shalt  }
0x45: {  	_ =	shalt  }
0x46: {  	_ =	shalt  }
0x47: {  	_ =	shalt  }
0x48: {  	_ =	shalt  }
0x49: {  	_ =	shalt  }
0x4a: {  	_ =	shalt  }
0x4b: {  	_ =	shalt  }
0x4c: {  	_ =	shalt  }
0x4d: {  	_ =	shalt  }
0x4e: {  	_ =	shalt  }
0x4f: {  	_ =	shalt  }
0x50: {  	_ =	shalt  }
0x51: {  	_ =	shalt  }
0x52: {  	_ =	shalt  }
0x53: {  	_ =	shalt  }
0x54: {  	_ =	shalt  }
0x55: {  	_ =	shalt  }
0x56: {  	_ =	shalt  }
0x57: {  	_ =	shalt  }
0x58: {  	_ =	shalt  }
0x59: {  	_ =	shalt  }
0x5a: {  	_ =	shalt  }
0x5b: {  	_ =	shalt  }
0x5c: {  	_ =	shalt  }
0x5d: {  	_ =	shalt  }
0x5e: {  	_ =	shalt  }
0x5f: {  	_ =	shalt  }
0x60: {  	_ =	shalt  }
0x61: {  	_ =	shalt  }
0x62: {  	_ =	shalt  }
0x63: {  	_ =	shalt  }
0x64: {  	_ =	shalt  }
0x65: {  	_ =	shalt  }
0x66: {  	_ =	shalt  }
0x67: {  	_ =	shalt  }
0x68: {  	_ =	shalt  }
0x69: {  	_ =	shalt  }
0x6a: {  	_ =	shalt  }
0x6b: {  	_ =	shalt  }
0x6c: {  	_ =	shalt  }
0x6d: {  	_ =	shalt  }
0x6e: {  	_ =	shalt  }
0x6f: {  	_ =	shalt  }
0x70: {  	_ =	shalt  }
0x71: {  	_ =	shalt  }
0x72: {  	_ =	shalt  }
0x73: {  	_ =	shalt  }
0x74: {  	_ =	shalt  }
0x75: {  	_ =	shalt  }
0x76: {  	_ =	shalt  }
0x77: {  	_ =	shalt  }
0x78: {  	_ =	shalt  }
0x79: {  	_ =	shalt  }
0x7a: {  	_ =	shalt  }
0x7b: {  	_ =	shalt  }
0x7c: {  	_ =	shalt  }
0x7d: {  	_ =	shalt  }
0x7e: {  	_ =	shalt  }
0x7f: {  	_ =	shalt  }
0x80: {  	_ =	shalt  }
0x81: {  	_ =	shalt  }
0x82: {  	_ =	shalt  }
0x83: {  	_ =	shalt  }
0x84: {  	_ =	shalt  }
0x85: {  	_ =	shalt  }
0x86: {  	_ =	shalt  }
0x87: {  	_ =	shalt  }
.Lfunc_end0:
.L_simem_size_0:
called_computation_lowered:
.L_overlay_start_0:
0x88: {  	s2 =	sld [smem:$0x3FD9]  }
0x89: {  	s3 =	sld [smem:$0x3FFE];
	_ =	sdelay $0x1  }
0x8a: {  	s1 =	srdreg.scid  }
0x8b: {  	s0 =	sand.u32 $0x1, s1  }
0x8c: {  	s18 =	sshll.u32 s0, $0xA;
	s2 =	sadd.s32 s3, s2  }
0x8d: {  	s2 =	sadd.s32 s2, s18  }
0x8e: {  	[smem:$0x3FC6] =	sst s2  }
0x8f: {  	_ = 	snop  }
0x90: {  	s2 =	sld [smem:$0x3FC9]  }
0x91: {  	s19 =	sld [smem:$0x3FC8]  }
0x92: {  	s4 =	sld [smem:$0x3FD0];
	(tm) =	ssettm $0x1  }
0x93: {  	s5 =	sld [smem:$0x3FFB];
	_ =	sdelay $0x3  }
0x94: {  	_ =	strace s5  }
0x95: {  	s5 =	sld [smem:$0x3FFC];
	_ =	sdelay $0x3  }
0x96: {  	_ =	strace s5  }
0x97: {  	s5 =	sld [smem:$0x3FFD];
	_ =	sdelay $0x3  }
0x98: {  	_ =	strace s5  }
0x99: {  	_ =	strace $0x8FFFFFFF  }
0x9a: {  	s20 =	sld [smem:$0x3FDB];
	_ =	sdelay $0x1  }
0x9b: {  	s6 =	simm.s32 $_scs_section_size  }
0x9c: {  	s7 =	simm.s32 $_size__tile_overlayer_lowered;
	s8 =	simm.s32 $_tile_overlayer_lowered  }
0x9d: {  	s23 =	simm.s32 $0x1BFF;
	s22 =	sshll.u32 s8, $0x1;
	s5 =	sadd.s32 s6, s20  }
0x9e: {  	s9 =	simm.s32 $0x0;
	s21 =	sshll.u32 s7, $0x1;
	s7 =	sadd.s32 s22, s5  }
0x9f: {  	[timem:s9], [sflag:s23] =	dma.local [hbm:s7], s21  }
0xa0: {  	_ =	swait.ge [sflag:s23], s21  }
0xa1: {  	s6 =	ssub.s32 $0x0, s21;
	[sflag:s23] =	ssyncset.done $0x0  }
0xa2: {  	[sflag:s23] =	ssyncadd.s32 s6;
	_ =	sdelay $0x1  }
0xa3: {  	s24 =	simm.s32 $0x1B8B  }
0xa4: {  	_ =	swait.ge [sflag:s24], $0x1  }
0xa5: {  	[sflag:s24] =	ssyncset.done $0x0  }
0xa6: {  	s25 =	simm.s32 $0x1B8E;
	[sflag:s24] =	ssyncadd.s32 $0xFFFFFFFF  }
0xa7: {  	s26 =	simm.s32 $execute0_lowered;
	[smem:$0x3FD2] =	sst s25  }
0xa8: {  	s6 =	sshll.u32 s26, $0x1;
	_ =	strace $0x80000046;
	[dreg:$0x1] =	wrdreg $0xFFFFFFFF  }
0xa9: {  	s28 =	simm.s32 $_size_execute0_lowered;
	s5 =	sadd.s32 s5, s6;
	[dreg:$0x0] =	wrdreg $0x0  }
0xaa: {  	s6 =	sshll.u32 s28, $0x1;
	[dreg:$0x2] =	wrdreg s5  }
0xab: {  	[dreg:$0x3] =	wrdreg s6  }
0xac: {  	[dreg:$0x4] =	wrdreg $0xC0  }
0xad: {  	_ =	task [dreg:s9], $0x5FFFF  }
0xae: {  	[dreg:$0x1] =	wrdreg $0xFFFFFFFF  }
0xaf: {  	[dreg:$0x0] =	wrdreg $0x60  }
0xb0: {  	[dreg:$0x2] =	wrdreg s2  }
0xb1: {  	[dreg:$0x3] =	wrdreg s19  }
0xb2: {  	[dreg:$0x4] =	wrdreg s4  }
0xb3: {  	[dreg:$0x5] =	wrdreg $0x1E7000  }
0xb4: {  	[dreg:$0x6] =	wrdreg $0x9  }
0xb5: {  	_ =	task.clear_ibuf [dreg:s9], $0x7FFFF;
	_ =	strace $0x90000046  }
0xb6: {  	s29 =	simm.s32 $0x9;
	_ =	strace $0x80000048  }
0xb7: {  	_ =	swait.ge [sflag:s29], $0x1  }
0xb8: {  	[sflag:s29] =	ssyncadd.s32 $0xFFFFFFFF  }
0xb9: {  	_ =	strace $0x90000048  }
0xba: {  	_ =	sfence  }
0xbb: {  	s30 =	sld [smem:$0x0];
	_ =	sdelay $0x2  }
0xbc: {  	s31 =	sshll.u32 s1, $0xD;
	s1 =	sshrl.u32 s1, $0x2  }
0xbd: {  	s3 =	sand.u32 $0x4000, s31;
	s1 =	sadd.s32 s1, s30  }
0xbe: {  	s0 =	sor.u32 s3, s0;
	s1 =	sshll.u32 s1, $0x11  }
0xbf: {  	s0 =	sor.u32 s1, s0  }
0xc0: {  	s0 =	sadd.s32 $0x8F2B, s0  }
0xc1: {  	[sflag:s0] =	ssyncadd.remote.s32 $0x1  }
0xc2: {  	_ =	sfence.sel $0xFFFF  }
0xc3: {  	[dreg:$0x0] =	wrdreg $0xFFFFFFFF;
	(pc) =	sbr.abs _section_cstart, $3  }
0xc4: {  	[dreg:$0x1] =	wrdreg $0xFFFFFFFF  }
0xc5: {  	_ =	task.clear_ibuf [dreg:s9], $0x2FFFF;
	_ =	strace $0x9FFFFFFF  }
0xc6: {  	(tm) =	ssettm $0x7FFFFFFF  }
0xc7: {  	_ =	shalt  }
tec
execute0_lowered:
.L_overlay_start_1:
0x0: {  	(tag) =	ssettag $0x1  }
0x1: {  	s1 =	rddreg [dreg:$0x0]  }
0x2: {  	s2 =	rddreg [dreg:$0x1]  }
0x3: {  	s3 =	rddreg [dreg:$0x2]  }
0x4: {  	s4 =	rddreg [dreg:$0x3]  }
0x5: {  	s0 =	rddreg [dreg:$0x4]  }
0x6: {  	s5 =	simm.s32 $0x0;
	s6 =	srdreg.scid;
	s12 =	stileid.u32  }
0x7: {  	s13 =	simm.s32 $0x400;
	s14 =	simm.s32 $0x1;
	s15 =	simm.s32 $0x2  }
0x8: {  	s16 =	simm.s32 $0x1C700;
	s17 =	simm.s32 $0x3;
	s18 =	simm.s32 $0x0  }
0x9: {  	[smem:$0x7FF] =	sst s5;
	s6 =	sand.u32 $0x1, s6;
	s8 =	sshrl.u32 s12, $0x2  }
0xa: {  	s9 =	sshll.u32 s12, $0x8;
	s31 =	sshll.u32 s12, $0xF;
	p0 =	sne.s32 s12, $0x0  }
0xb: {  	p1 =	seq.s32 s12, $0x0;
	s12 =	simm.s32 $0x80;
	_ =	strace $0x80000047  }
0xc: {  	s7 =	ssub.s32 $0x2, s6;
	s8 =	smul.u32 $0xC3800, s8;
	s6 =	sshll.u32 s6, $0x7  }
0xd: {  	s9 =	sand.u32 $0x300, s9;
	s11 =	sshrl.u32 @!p0 s4, $0x3;
	s10 =	sshrl.u32 s7, $0x1  }
0xe: {  	s6 =	sor.u32 s6, s9;
	s9 =	sadd.s32 $0x2000, s3;
	s10 =	ssub.s32 s7, s10  }
0xf: {  	s7 =	sor.u32 s6, s8;
	s8 =	sand.u32 $0x60000, s31;
	s10 =	smax.u32 s10, $0x1  }
.LBB2_1:
0x10: {  	s19 =	simm.s32 @!p0 $0x1  }
0x11: {  	s20 =	simm.s32 @!p0 $0x20;
	s21 =	simm.s32 @!p0 $0x80;
	s22 =	simm.s32 @!p0 $0x1C04  }
0x12: {  	[spmem:s11@s20], [sflag:s22] =	dma.strided @!p0 [hbm:s1@s21], $0x800, s19, $0x10   }
0x13: {  	s19 =	simm.s32 @!p0 $0x4  }
0x14: {  	_ =	swait.ge @!p0 [sflag:s19], $0x800  }
0x15: {  	[sflag:s19] =	ssyncset.done @!p0 $0x0  }
0x16: {  	s20 =	simm.s32 $0x0;
	[sflag:s19] =	ssyncadd.s32 @!p0 $0xFFFFF800  }
.LBB2_2:
0x17: {  	p2 =	sne.s32 s20, $0x19  }
0x18: {  	s19 =	sadd.s32 $0x1, s20;
	p2 =	por !p1, !p2  }
0x19: {  	[bflag:$0x0] =	sbarrier.arrive $0xFFFF;
	s29 =	smul.u32 $0x30E000, s20;
	p2 =	por !p2, !p2  }
0x1a: {  	s21 =	sshll.u32 @p2 s19, $0x4;
	s22 =	sshll.u32 @p2 s20, $0x7;
	s23 =	sshll.u32 @p2 s19, $0xB  }
0x1b: {  	s25 =	simm.s32 @p2 $0x20;
	s26 =	simm.s32 @p2 $0x80;
	s22 =	sand.u32 @p2 $0x80, s22  }
0x1c: {  	s28 =	simm.s32 @p2 $0x1C04;
	s21 =	sand.u32 @p2 $0x70, s21;
	s24 =	sxor.u32 @p2 $0x80, s22  }
0x1d: {  	s23 =	sand.u32 @p2 $0x1C000, s23;
	s21 =	sadd.s32 @p2 s1, s21;
	s24 =	sadd.s32 @p2 s24, s4  }
0x1e: {  	s21 =	sadd.s32 @p2 s23, s21;
	s23 =	sshrl.u32 @p2 s24, $0x3;
	s24 =	simm.s32 @p2 $0x1  }
0x1f: {  	[spmem:s23@s25], [sflag:s28] =	dma.strided @p2 [hbm:s21@s26], $0x800, s24, $0x10   }
0x20: {  	s29 =	sadd.s32 s7, s29;
	s21 =	sshll.u32 @!p2 s20, $0x7  }
0x21: {  	s23 =	sshrl.u32 s29, $0x3;
	s21 =	sand.u32 @!p2 $0x80, s21  }
0x22: {  	s31 =	simm.s32 $0x0;
	s30 =	sadd.s32 s2, s23;
	s21 =	smov.u32 @p2 s22  }
0x23: {  	[tilespmem:s31], [sflag:$0x1] =	stream.strided.gather [hbm4b:s30+s12], $0x18700, s13, s12, $0x38;
	[tilespmem:$0x1EF00] =	vst v63  }
0x24: {  	s21 =	sadd.s32 s21, s4  }
0x25: {  	s24 =	simm.s32 $0x18700;
	s22 =	simm.s32 $0x400;
	s23 =	sadd.s32 $0x0, s21  }
.LBB2_3:
0x26: {  	[tilespmem:s24], [sflag:$0x2] =	stream.linear.gather [spmem:s23], $0x80, $0x38;
	[tilespmem:$0x1EF00] =	vst v63  }
0x27: {  	s23 =	smov.u32 s22;
	p3 =	sne.s32 s22, $0xFC00  }
.Ltmp0:
0x28: {  	s22 =	sadd.s32 $0x400, s22;
	(pc) =	sbr.rel @p3 .LBB2_3-.Ltmp0, $3  }
0x29: {  	_ =	sdelay $0x1  }
0x2a: {  	s24 =	sshra.s32 s23, $0x2  }
0x2b: {  	s23 =	sadd.s32 s24, s21;
	s24 =	sadd.s32 $0x18700, s24  }
0x2c: {  	[tilespmem:s24], [sflag:$0x2] =	stream.linear.gather [spmem:s23], $0x80, $0x38;
	[tilespmem:$0x1EF00] =	vst v63  }
0x2d: {  	s21 =	sadd.s32 $0x4000, s21  }
0x2e: {  	s22 =	simm.s32 $0x400;
	s24 =	simm.s32 $0x18780;
	s23 =	sadd.s32 $0x0, s21  }
.LBB2_5:
0x2f: {  	[tilespmem:s24], [sflag:$0x2] =	stream.linear.gather [spmem:s23], $0x80, $0x38;
	[tilespmem:$0x1EF00] =	vst v63  }
0x30: {  	s23 =	smov.u32 s22;
	p3 =	sne.s32 s22, $0xFC00  }
.Ltmp1:
0x31: {  	s22 =	sadd.s32 $0x400, s22;
	(pc) =	sbr.rel @p3 .LBB2_5-.Ltmp1, $3  }
0x32: {  	_ =	sdelay $0x1  }
0x33: {  	s24 =	sshra.s32 s23, $0x2  }
0x34: {  	s23 =	sadd.s32 s24, s21;
	s24 =	sadd.s32 $0x18780, s24  }
0x35: {  	[tilespmem:s24], [sflag:$0x2] =	stream.linear.gather [spmem:s23], $0x80, $0x38;
	[tilespmem:$0x1EF00] =	vst v63  }
0x36: {  	_ =	swait.ge [sflag:s14], $0x18700  }
0x37: {  	[sflag:s14] =	ssyncset.done $0x0  }
0x38: {  	[sflag:s14] =	ssyncadd.s32 $0xFFFE7900  }
0x39: {  	_ =	swait.ge [sflag:s15], $0x2000  }
0x3a: {  	p3 =	seq.s32 s20, $0x0;
	[sflag:s15] =	ssyncset.done $0x0  }
0x3b: {  	s21 =	simm.s32 @!p3 $0x3;
	[sflag:s15] =	ssyncadd.s32 $0xFFFFE000  }
0x3c: {  	_ =	swait.ge @!p3 [sflag:s21], $0x2000  }
0x3d: {  	[sflag:s21] =	ssyncset.done @!p3 $0x0  }
0x3e: {  	s22 =	simm.s32 $0x18740;
	[sflag:s21] =	ssyncadd.s32 @!p3 $0xFFFFE000  }
0x3f: {  	v0 =	vld [tilespmem:s22+$0xFFFFFFC0]  }
0x40: {  	s23 =	simm.s32 $0x200;
	s21 =	simm.s32 $0x0;
	v1 =	vld [tilespmem:s22+$0x30]  }
.LBB2_7:
0x41: {  	p3 =	sne.s32 s23, $0x7E00;
	v2 =	vld [tilespmem:s22+$0xFFFFFFD0]  }
0x42: {  	v3 =	vld [tilespmem:s22+$0xFFFFFFE0]  }
0x43: {  	v4 =	vld [tilespmem:s22+$0xFFFFFFF0]  }
0x44: {  	v5 =	vld [tilespmem:s22+$0x0]  }
0x45: {  	v6 =	vld [tilespmem:s22+$0x10]  }
0x46: {  	v7 =	vld [tilespmem:s22+$0x20]  }
0x47: {  	v0 =	vld.idx.msk [tilespmem:v0+s5+$0x0], $0xffff  }
0x48: {  	v1 =	vld.idx.msk [tilespmem:v1+s5+$0x0], $0xffff  }
0x49: {  	v2 =	vld.idx.msk [tilespmem:v2+s5+$0x0], $0xffff  }
0x4a: {  	v3 =	vld.idx.msk [tilespmem:v3+s5+$0x0], $0xffff  }
0x4b: {  	v4 =	vld.idx.msk [tilespmem:v4+s5+$0x0], $0xffff  }
0x4c: {  	v5 =	vld.idx.msk [tilespmem:v5+s5+$0x0], $0xffff  }
0x4d: {  	s24 =	sshra.s32 s21, $0x2;
	s21 =	smov.u32 s23;
	v6 =	vld.idx.msk [tilespmem:v6+s5+$0x0], $0xffff  }
0x4e: {  	v7 =	vld.idx.msk [tilespmem:v7+s5+$0x0], $0xffff;
	[tilespmem:s24+$0x1C770] =	vst v1  }
0x4f: {  	[tilespmem:s24+$0x1C700] =	vst v0  }
0x50: {  	[tilespmem:s24+$0x1C710] =	vst v2  }
0x51: {  	[tilespmem:s24+$0x1C720] =	vst v3  }
0x52: {  	[tilespmem:s24+$0x1C730] =	vst v4  }
.Ltmp2:
0x53: {  	[tilespmem:s24+$0x1C740] =	vst v5;
	(pc) =	sbr.rel @p3 .LBB2_7-.Ltmp2, $4  }
0x54: {  	[tilespmem:s24+$0x1C750] =	vst v6  }
0x55: {  	s22 =	sadd.s32 $0x100, s22;
	[tilespmem:s24+$0x1C760] =	vst v7  }
0x56: {  	v0 =	vld [tilespmem:s22+$0xFFFFFFC0]  }
0x57: {  	s23 =	sadd.s32 $0x200, s23;
	v1 =	vld [tilespmem:s22+$0x30]  }
0x58: {  	_ = 	snop  }
0x59: {  	v2 =	vld [tilespmem:s22+$0xFFFFFFD0]  }
0x5a: {  	v3 =	vld [tilespmem:s22+$0xFFFFFFE0]  }
0x5b: {  	v4 =	vld [tilespmem:s22+$0xFFFFFFF0]  }
0x5c: {  	v5 =	vld [tilespmem:s22+$0x0]  }
0x5d: {  	v6 =	vld [tilespmem:s22+$0x10]  }
0x5e: {  	v7 =	vld [tilespmem:s22+$0x20]  }
0x5f: {  	v0 =	vld.idx.msk [tilespmem:v0+s5+$0x0], $0xffff  }
0x60: {  	v1 =	vld.idx.msk [tilespmem:v1+s5+$0x0], $0xffff  }
0x61: {  	v2 =	vld.idx.msk [tilespmem:v2+s5+$0x0], $0xffff  }
0x62: {  	v3 =	vld.idx.msk [tilespmem:v3+s5+$0x0], $0xffff  }
0x63: {  	v4 =	vld.idx.msk [tilespmem:v4+s5+$0x0], $0xffff  }
0x64: {  	v5 =	vld.idx.msk [tilespmem:v5+s5+$0x0], $0xffff  }
0x65: {  	s21 =	sshra.s32 s21, $0x2;
	v6 =	vld.idx.msk [tilespmem:v6+s5+$0x0], $0xffff  }
0x66: {  	v7 =	vld.idx.msk [tilespmem:v7+s5+$0x0], $0xffff;
	[tilespmem:s21+$0x1C700] =	vst v0  }
0x67: {  	[tilespmem:s21+$0x1C770] =	vst v1  }
0x68: {  	[tilespmem:s21+$0x1C710] =	vst v2  }
0x69: {  	s20 =	sshll.u32 s20, $0x13;
	[tilespmem:s21+$0x1C720] =	vst v3  }
0x6a: {  	s20 =	sor.u32 s20, s8;
	[tilespmem:s21+$0x1C730] =	vst v4  }
0x6b: {  	s20 =	sor.u32 s6, s20;
	[tilespmem:s21+$0x1C740] =	vst v5  }
0x6c: {  	s20 =	sshrl.u32 s20, $0x3;
	[tilespmem:s21+$0x1C750] =	vst v6  }
0x6d: {  	s31 =	sadd.s32 s3, s20;
	[tilespmem:s21+$0x1C760] =	vst v7  }
0x6e: {  	[hbm4b:s31+s12] =	stream.strided.scatter [tilespmem:s16], [sflag:$0x3], $0x2000, s13, s12, $0x38;
	[tilespmem:$0x1EF00] =	vst v63  }
0x6f: {  	_ =	swait.ge [sflag:s15], $0x2000  }
0x70: {  	[sflag:s15] =	ssyncset.done $0x0  }
0x71: {  	[sflag:s15] =	ssyncadd.s32 $0xFFFFE000  }
0x72: {  	_ =	swait.ge [sflag:s17], $0x2000  }
0x73: {  	[sflag:s17] =	ssyncset.done $0x0  }
0x74: {  	s22 =	simm.s32 $0x187F0;
	[sflag:s17] =	ssyncadd.s32 $0xFFFFE000  }
0x75: {  	v0 =	vld [tilespmem:s22+$0xFFFFFF90]  }
0x76: {  	s23 =	simm.s32 $0x200;
	s21 =	simm.s32 $0x0;
	v1 =	vld [tilespmem:s22+$0x0]  }
.LBB2_9:
0x77: {  	p3 =	sne.s32 s23, $0x7E00;
	v2 =	vld [tilespmem:s22+$0xFFFFFFA0]  }
0x78: {  	v3 =	vld [tilespmem:s22+$0xFFFFFFB0]  }
0x79: {  	v4 =	vld [tilespmem:s22+$0xFFFFFFC0]  }
0x7a: {  	v5 =	vld [tilespmem:s22+$0xFFFFFFD0]  }
0x7b: {  	v6 =	vld [tilespmem:s22+$0xFFFFFFE0]  }
0x7c: {  	v7 =	vld [tilespmem:s22+$0xFFFFFFF0]  }
0x7d: {  	v0 =	vld.idx.msk [tilespmem:v0+s5+$0x0], $0xffff  }
0x7e: {  	v1 =	vld.idx.msk [tilespmem:v1+s5+$0x0], $0xffff  }
0x7f: {  	v2 =	vld.idx.msk [tilespmem:v2+s5+$0x0], $0xffff  }
0x80: {  	v3 =	vld.idx.msk [tilespmem:v3+s5+$0x0], $0xffff  }
0x81: {  	v4 =	vld.idx.msk [tilespmem:v4+s5+$0x0], $0xffff  }
0x82: {  	v5 =	vld.idx.msk [tilespmem:v5+s5+$0x0], $0xffff  }
0x83: {  	s24 =	sshra.s32 s21, $0x2;
	s21 =	smov.u32 s23;
	v6 =	vld.idx.msk [tilespmem:v6+s5+$0x0], $0xffff  }
0x84: {  	v7 =	vld.idx.msk [tilespmem:v7+s5+$0x0], $0xffff;
	[tilespmem:s24+$0x1C770] =	vst v1  }
0x85: {  	[tilespmem:s24+$0x1C700] =	vst v0  }
0x86: {  	[tilespmem:s24+$0x1C710] =	vst v2  }
0x87: {  	[tilespmem:s24+$0x1C720] =	vst v3  }
0x88: {  	[tilespmem:s24+$0x1C730] =	vst v4  }
.Ltmp3:
0x89: {  	[tilespmem:s24+$0x1C740] =	vst v5;
	(pc) =	sbr.rel @p3 .LBB2_9-.Ltmp3, $4  }
0x8a: {  	[tilespmem:s24+$0x1C750] =	vst v6  }
0x8b: {  	s22 =	sadd.s32 $0x100, s22;
	[tilespmem:s24+$0x1C760] =	vst v7  }
0x8c: {  	v0 =	vld [tilespmem:s22+$0xFFFFFF90]  }
0x8d: {  	s23 =	sadd.s32 $0x200, s23;
	v1 =	vld [tilespmem:s22+$0x0]  }
0x8e: {  	_ = 	snop  }
0x8f: {  	v2 =	vld [tilespmem:s22+$0xFFFFFFA0]  }
0x90: {  	v3 =	vld [tilespmem:s22+$0xFFFFFFB0]  }
0x91: {  	v4 =	vld [tilespmem:s22+$0xFFFFFFC0]  }
0x92: {  	v5 =	vld [tilespmem:s22+$0xFFFFFFD0]  }
0x93: {  	v6 =	vld [tilespmem:s22+$0xFFFFFFE0]  }
0x94: {  	v7 =	vld [tilespmem:s22+$0xFFFFFFF0]  }
0x95: {  	v0 =	vld.idx.msk [tilespmem:v0+s5+$0x0], $0xffff  }
0x96: {  	v1 =	vld.idx.msk [tilespmem:v1+s5+$0x0], $0xffff  }
0x97: {  	v2 =	vld.idx.msk [tilespmem:v2+s5+$0x0], $0xffff  }
0x98: {  	v3 =	vld.idx.msk [tilespmem:v3+s5+$0x0], $0xffff  }
0x99: {  	v4 =	vld.idx.msk [tilespmem:v4+s5+$0x0], $0xffff  }
0x9a: {  	v5 =	vld.idx.msk [tilespmem:v5+s5+$0x0], $0xffff  }
0x9b: {  	s21 =	sshra.s32 s21, $0x2;
	v6 =	vld.idx.msk [tilespmem:v6+s5+$0x0], $0xffff  }
0x9c: {  	v7 =	vld.idx.msk [tilespmem:v7+s5+$0x0], $0xffff;
	[tilespmem:s21+$0x1C700] =	vst v0  }
0x9d: {  	[tilespmem:s21+$0x1C770] =	vst v1  }
0x9e: {  	[tilespmem:s21+$0x1C710] =	vst v2  }
0x9f: {  	[tilespmem:s21+$0x1C720] =	vst v3  }
0xa0: {  	[tilespmem:s21+$0x1C730] =	vst v4  }
0xa1: {  	[tilespmem:s21+$0x1C740] =	vst v5  }
0xa2: {  	[tilespmem:s21+$0x1C750] =	vst v6  }
0xa3: {  	s20 =	sadd.s32 s20, s9;
	p3 =	sne.s32 s19, $0x1A;
	[tilespmem:s21+$0x1C760] =	vst v7  }
0xa4: {  	[hbm4b:s20+s12] =	stream.strided.scatter [tilespmem:s16], [sflag:$0x3], $0x2000, s13, s12, $0x38;
	[tilespmem:$0x1EF00] =	vst v63  }
.Ltmp4:
0xa5: {  	_ = 	snop;
	(pc) =	sbr.rel @p3 .LBB2_2-.Ltmp4, $4  }
0xa6: {  	s20 =	simm.s32 @p2 $0x4  }
0xa7: {  	_ =	swait.ge @p2 [sflag:s20], $0x800  }
0xa8: {  	[sflag:s20] =	ssyncset.done @p2 $0x0  }
0xa9: {  	[sflag:s20] =	ssyncadd.s32 @p2 $0xFFFFF800;
	s20 =	smov.u32 s19  }
0xaa: {  	s18 =	sadd.s32 $0x1, s18  }
0xab: {  	p2 =	sne.s32 s18, s10  }
.Ltmp5:
0xac: {  	_ = 	snop;
	(pc) =	sbr.rel @p2 .LBB2_1-.Ltmp5, $4  }
0xad: {  	_ = 	snop  }
0xae: {  	_ =	swait.ge [sflag:s17], $0x2000  }
0xaf: {  	[sflag:s17] =	ssyncset.done $0x0  }
0xb0: {  	[sflag:s17] =	ssyncadd.s32 $0xFFFFE000  }
0xb1: {  	_ =	sfence.sel $0x180000  }
0xb2: {  	[bflag:$0x0] =	sbarrier.arrive $0xFFFF  }
0xb3: {  	_ =	strace $0x90000047  }
0xb4: {  	s0 =	sadd.s32 @!p0 $0x100000, s0;
	[bflag:$0x2] =	sbarrier.arrive $0xFFFF  }
0xb5: {  	[sflag:s0] =	ssyncadd.tile.s32 @!p0 $0x1;
	_ =	shalt  }
.Lfunc_end2:
_tile_overlayer_lowered:
.L_overlay_start_2:
0xb6: {  	(tag) =	ssettag $0x2  }
0xb7: {  	s0 =	rddreg [dreg:$0x0];
	s2 =	stileid.u32  }
0xb8: {  	s1 =	rddreg [dreg:$0x1];
	p0 =	sne.s32 s2, $0x0  }
0xb9: {  	s3 =	rddreg [dreg:$0x2];
	[bflag:$0x3] =	sbarrier.arrive $0xFFFF;
	s2 =	simm.s32 @!p0 $0x1C05  }
0xba: {  	[timem:s3], [sflag:s2] =	dma.local @!p0 [hbm:s0], s1  }
0xbb: {  	s0 =	simm.s32 @!p0 $0x5  }
0xbc: {  	_ =	swait.ge @!p0 [sflag:s0], s1  }
0xbd: {  	s1 =	ssub.s32 @!p0 $0x0, s1;
	[sflag:s0] =	ssyncset.done @!p0 $0x0  }
0xbe: {  	[sflag:s0] =	ssyncadd.s32 @!p0 s1  }
0xbf: {  	[bflag:$0x3] =	sbarrier.arrive $0xFFFF  }
0xc0: {  	_ =	shalt  }

</sc_bundles>
